<compile_context>
chip_gen: v7x
topology: tpu7x:2x2x1
jax: 0.10.2.dev20260603
libtpu: 0.0.44.dev20260713+nightly
codegen_flags: <defaults>
</compile_context>

<pallas_src>
import functools

import jax
import jax.numpy as jnp
from jax import lax
from jax.experimental import pallas as pl
from jax.experimental.pallas import tpu as pltpu
from jax.experimental.pallas import tpu_sc as plsc

_NC = 2
_NS = 16
_NW = _NC * _NS


def _pool_sc(x, table):
    B, L = x.shape
    V, D = table.shape
    b_per_w = B // _NW
    c0 = min(L, 128)
    c1 = L - c0
    inv_l = 1.0 / L
    n_vreg = D // 16

    mesh = plsc.VectorSubcoreMesh(core_axis_name="c", subcore_axis_name="s")

    UN = 8
    assert L % UN == 0

    @functools.partial(
        pl.kernel,
        mesh=mesh,
        out_type=jax.ShapeDtypeStruct((B, D), jnp.float32),
        compiler_params=pltpu.CompilerParams(use_tc_tiling_on_sc=False),
        scratch_types=[
            pltpu.VMEM((b_per_w, L), jnp.int32),
            pltpu.VMEM((L, D), jnp.float32),
            pltpu.VMEM((L, D), jnp.float32),
            pltpu.VMEM((b_per_w, D), jnp.float32),
            pltpu.SemaphoreType.DMA,
            pltpu.SemaphoreType.DMA,
        ],
    )
    def pool_kernel(x_hbm, table_hbm, out_hbm, idx_v, rows0_v, rows1_v,
                    pooled_v, sem0, sem1):
        wid = lax.axis_index("s") * _NC + lax.axis_index("c")
        base = wid * b_per_w
        pltpu.sync_copy(x_hbm.at[pl.ds(base, b_per_w)], idx_v)

        def issue(slot_ref, sem, b):
            pltpu.async_copy(
                table_hbm.at[idx_v.at[b, pl.ds(0, c0)]],
                slot_ref.at[pl.ds(0, c0)], sem)
            pltpu.async_copy(
                table_hbm.at[idx_v.at[b, pl.ds(c0, c1)]],
                slot_ref.at[pl.ds(c0, c1)], sem)

        def wait(slot_ref, sem):
            pltpu.make_async_copy(
                table_hbm.at[idx_v.at[0, pl.ds(0, c0)]],
                slot_ref.at[pl.ds(0, c0)], sem).wait()
            pltpu.make_async_copy(
                table_hbm.at[idx_v.at[0, pl.ds(c0, c1)]],
                slot_ref.at[pl.ds(c0, c1)], sem).wait()

        def accumulate(slot_ref, b):
            zero = jnp.zeros((16,), jnp.float32)

            def acc_body(i, accs):
                r = i * UN
                a = [[acc for acc in chain] for chain in accs]
                for k in range(UN):
                    for j in range(n_vreg):
                        a[j][k % 2] = a[j][k % 2] + slot_ref[
                            r + k, pl.ds(j * 16, 16)]
                return tuple(tuple(chain) for chain in a)

            accs = lax.fori_loop(
                0, L // UN, acc_body,
                tuple((zero, zero) for _ in range(n_vreg)))
            for j in range(n_vreg):
                pooled_v[b, pl.ds(j * 16, 16)] = (
                    (accs[j][0] + accs[j][1]) * inv_l)

        issue(rows0_v, sem0, 0)

        def row_body(g, carry):
            b0 = 2 * g
            issue(rows1_v, sem1, b0 + 1)
            wait(rows0_v, sem0)
            accumulate(rows0_v, b0)

            @pl.when(b0 + 2 < b_per_w)
            def _():
                issue(rows0_v, sem0, b0 + 2)

            wait(rows1_v, sem1)
            accumulate(rows1_v, b0 + 1)
            return carry

        lax.fori_loop(0, b_per_w // 2, row_body, 0)
        pltpu.sync_copy(pooled_v, out_hbm.at[pl.ds(base, b_per_w)])

    return pool_kernel(x, table)


def _mlp_tc(pooled, W1, b1, W2, b2, W3, b3):
    B = pooled.shape[0]
    C = W3.shape[1]

    def mlp_kernel(p_ref, w1_ref, b1_ref, w2_ref, b2_ref, w3_ref, b3_ref,
                   o_ref):
        h = jnp.dot(p_ref[...], w1_ref[...],
                    preferred_element_type=jnp.float32) + b1_ref[...]
        h = jnp.maximum(h, 0.0)
        h = jnp.dot(h, w2_ref[...],
                    preferred_element_type=jnp.float32) + b2_ref[...]
        h = jnp.maximum(h, 0.0)
        o_ref[...] = jnp.dot(h, w3_ref[...],
                             preferred_element_type=jnp.float32) + b3_ref[...]

    return pl.pallas_call(
        mlp_kernel,
        out_shape=jax.ShapeDtypeStruct((B, C), jnp.float32),
    )(pooled, W1, b1.reshape(1, -1), W2, b2.reshape(1, -1), W3,
      b3.reshape(1, -1))


def kernel(x, table, W1, b1, W2, b2, W3, b3):
    pooled = _pool_sc(x, table)
    return _mlp_tc(pooled, W1, b1, W2, b2, W3, b3)

# --- scband reference (transcript-rebuilt; emitter-appended) ---
"""Pipeline reference for scband-embedding-classifier-15822659518562 (READ-ONLY COPY).

The authoritative reference and input builder live on the scoring server;
editing this copy changes nothing except your own understanding.
"""

import jax, jax.numpy as jnp
import numpy as np

V, D, C = 1000000, 32, 10
B, L = 4096, 200

def setup_inputs(seed: int = 0) -> dict:
    key = jax.random.key(seed)
    ks = jax.random.split(key, 8)
    x = jax.random.randint(ks[0], (B, L), 0, V, dtype=jnp.int32)
    table = jax.random.normal(ks[1], (V, D), dtype=jnp.float32) * 0.05
    table = table.at[0].set(0.0)  # padding_idx=0 row zeroed like torch nn.Embedding
    W1 = jax.random.normal(ks[2], (D, 64), dtype=jnp.float32) * 0.05
    b1 = jnp.zeros((64,), dtype=jnp.float32)
    W2 = jax.random.normal(ks[3], (64, 32), dtype=jnp.float32) * 0.05
    b2 = jnp.zeros((32,), dtype=jnp.float32)
    W3 = jax.random.normal(ks[4], (32, C), dtype=jnp.float32) * 0.05
    b3 = jnp.zeros((C,), dtype=jnp.float32)
    return {"x": x, "table": table, "W1": W1, "b1": b1, "W2": W2, "b2": b2, "W3": W3, "b3": b3}

def reference(x, table, W1, b1, W2, b2, W3, b3):
    # enforce padding row = 0 (padding_idx=0 semantics)
    tab = table.at[0].set(0.0)
    emb = jnp.take(tab, x, axis=0)          # [B, L, D] gather
    pooled = jnp.mean(emb, axis=1)          # AdaptiveAvgPool1d(1) over sequence dim
    h = jax.nn.relu(pooled @ W1 + b1)       # fc1 + relu (dropout = identity in eval)
    h = jax.nn.relu(h @ W2 + b2)            # fc2 + relu
    out = h @ W3 + b3                        # fc3 logits
    return out

if __name__ == "__main__":
    import jax
    _d = setup_inputs()
    print(jax.jit(kernel)(*tuple(_d.values())))

</pallas_src>

<mosaic_0001>
#map = affine_map<(d0, d1) -> (0, 0)>
module attributes {stable_mosaic.version = 14 : i64} {
  func.func @pool_kernel(%arg0: i32, %arg1: i32, %arg2: memref<4096x200xi32, #tpu.memory_space<hbm>>, %arg3: memref<1000000x32xf32, #tpu.memory_space<hbm>>, %arg4: memref<4096x32xf32, #tpu.memory_space<hbm>>, %arg5: memref<128x200xi32, #tpu.memory_space<vmem>>, %arg6: memref<200x32xf32, #tpu.memory_space<vmem>>, %arg7: memref<200x32xf32, #tpu.memory_space<vmem>>, %arg8: memref<128x32xf32, #tpu.memory_space<vmem>>, %arg9: memref<!tpu.dma_semaphore, #tpu.memory_space<semaphore_mem>>, %arg10: memref<!tpu.dma_semaphore, #tpu.memory_space<semaphore_mem>>) attributes {dimension_semantics = [#tpu.dimension_semantics<core_parallel>, #tpu.dimension_semantics<subcore_parallel>], iteration_bounds = array<i64: 2, 16>, scalar_prefetch = 0 : i64, scratch_operands = 6 : i64, tpu.core_type = #tpu.core_type<sc_vector_subcore>, window_params = [{transform_indices = #map}, {transform_indices = #map}, {transform_indices = #map}]} {
    %mul3A = arith.constant 2 : i32
    %mul3A_0 = arith.muli %arg1, %mul3A : i32
    %add3A = arith.addi %mul3A_0, %arg0 : i32
    %mul3A_1 = arith.constant 128 : i32
    %mul3A_2 = arith.muli %add3A, %mul3A_1 : i32
    "tpu.region"() ({
      %run_scoped3A = tpu.sem_alloc : memref<!tpu.dma_semaphore, #tpu.memory_space<semaphore_mem>>
      %dma_start3A_27 = arith.constant 0 : i32
      %dma_start3A_28 = tpu.memref_slice %arg2[%mul3A_2, %dma_start3A_27] : memref<4096x200xi32, #tpu.memory_space<hbm>> -> memref<128x200xi32, #tpu.memory_space<hbm>>
      %dma_start3A_29 = arith.constant 0 : i32
      %dma_start3A_30 = tpu.memref_slice %arg2[%mul3A_2, %dma_start3A_29] : memref<4096x200xi32, #tpu.memory_space<hbm>> -> memref<128x200xi32, #tpu.memory_space<hbm>>
      tpu.enqueue_dma source(%dma_start3A_30 : memref<128x200xi32, #tpu.memory_space<hbm>>) target(%arg5 : memref<128x200xi32, #tpu.memory_space<vmem>>) target_semaphore(%run_scoped3A : memref<!tpu.dma_semaphore, #tpu.memory_space<semaphore_mem>>)
      %dma_wait3A = arith.constant 0 : i32
      %dma_wait3A_31 = tpu.memref_slice %arg2[%mul3A_2, %dma_wait3A] : memref<4096x200xi32, #tpu.memory_space<hbm>> -> memref<128x200xi32, #tpu.memory_space<hbm>>
      %dma_wait3A_32 = arith.constant 0 : i32
      %dma_wait3A_33 = tpu.memref_slice %arg2[%mul3A_2, %dma_wait3A_32] : memref<4096x200xi32, #tpu.memory_space<hbm>> -> memref<128x200xi32, #tpu.memory_space<hbm>>
      tpu.wait_dma2 semaphore(%run_scoped3A : memref<!tpu.dma_semaphore, #tpu.memory_space<semaphore_mem>>) src(%dma_wait3A_33 : memref<128x200xi32, #tpu.memory_space<hbm>>) dst(%arg5 : memref<128x200xi32, #tpu.memory_space<vmem>>)
      tpu.yield
    }) : () -> ()
    %dma_start3A = arith.constant 0 : i32
    %dma_start3A_3 = arith.constant 0 : i32
    %dma_start3A_4 = arith.constant 0 : i32
    %dma_start3A_5 = tpu.memref_slice %arg6[%dma_start3A_3, %dma_start3A_4] : memref<200x32xf32, #tpu.memory_space<vmem>> -> memref<128x32xf32, #tpu.memory_space<vmem>>
    %dma_start3A_6 = arith.constant 0 : i32
    %dma_start3A_7 = tpu.memref_slice %arg5[%dma_start3A, %dma_start3A_6] : memref<128x200xi32, #tpu.memory_space<vmem>> -> memref<1x128xi32, #tpu.memory_space<vmem>>
    %dma_start3A_8 = tpu.memref_squeeze %dma_start3A_7 : memref<1x128xi32, #tpu.memory_space<vmem>> -> memref<128xi32, #tpu.memory_space<vmem>>
    %dma_start3A_9 = arith.constant 0 : i32
    %dma_start3A_10 = arith.constant 0 : i32
    %dma_start3A_11 = tpu.memref_slice %arg3[%dma_start3A_9, %dma_start3A_10] : memref<1000000x32xf32, #tpu.memory_space<hbm>> -> memref<1000000x32xf32, #tpu.memory_space<hbm>>
    tpu.enqueue_indirect_dma source(%dma_start3A_11 : memref<1000000x32xf32, #tpu.memory_space<hbm>>) target(%dma_start3A_5 : memref<128x32xf32, #tpu.memory_space<vmem>>) offsets(%dma_start3A_8 : memref<128xi32, #tpu.memory_space<vmem>>) semaphore(%arg9 : memref<!tpu.dma_semaphore, #tpu.memory_space<semaphore_mem>>)
    %dma_start3A_12 = arith.constant 0 : i32
    %dma_start3A_13 = arith.constant 128 : i32
    %dma_start3A_14 = arith.constant 0 : i32
    %dma_start3A_15 = tpu.memref_slice %arg6[%dma_start3A_13, %dma_start3A_14] : memref<200x32xf32, #tpu.memory_space<vmem>> -> memref<72x32xf32, #tpu.memory_space<vmem>>
    %dma_start3A_16 = arith.constant 128 : i32
    %dma_start3A_17 = tpu.memref_slice %arg5[%dma_start3A_12, %dma_start3A_16] : memref<128x200xi32, #tpu.memory_space<vmem>> -> memref<1x72xi32, #tpu.memory_space<vmem>>
    %dma_start3A_18 = tpu.memref_squeeze %dma_start3A_17 : memref<1x72xi32, #tpu.memory_space<vmem>> -> memref<72xi32, #tpu.memory_space<vmem>>
    %dma_start3A_19 = arith.constant 0 : i32
    %dma_start3A_20 = arith.constant 0 : i32
    %dma_start3A_21 = tpu.memref_slice %arg3[%dma_start3A_19, %dma_start3A_20] : memref<1000000x32xf32, #tpu.memory_space<hbm>> -> memref<1000000x32xf32, #tpu.memory_space<hbm>>
    tpu.enqueue_indirect_dma source(%dma_start3A_21 : memref<1000000x32xf32, #tpu.memory_space<hbm>>) target(%dma_start3A_15 : memref<72x32xf32, #tpu.memory_space<vmem>>) offsets(%dma_start3A_18 : memref<72xi32, #tpu.memory_space<vmem>>) semaphore(%arg9 : memref<!tpu.dma_semaphore, #tpu.memory_space<semaphore_mem>>)
    %scan3A = arith.constant 0 : i32
    %scan3A_22 = arith.constant 0 : i32
    %scan3A_23 = arith.constant 64 : i32
    %scan3A_24 = arith.addi %scan3A_22, %scan3A_23 : i32
    %scan3A_25 = arith.constant 1 : i32
    scf.for %scan3A_27 = %scan3A_22 to %scan3A_24 step %scan3A_25  : i32 {
      %mul3A_28 = arith.constant 2 : i32
      %mul3A_29 = arith.muli %mul3A_28, %scan3A_27 : i32
      %add3A_30 = arith.constant 1 : i32
      %add3A_31 = arith.addi %mul3A_29, %add3A_30 : i32
      %dma_start3A_32 = arith.constant 0 : i32
      %dma_start3A_33 = arith.constant 0 : i32
      %dma_start3A_34 = tpu.memref_slice %arg7[%dma_start3A_32, %dma_start3A_33] : memref<200x32xf32, #tpu.memory_space<vmem>> -> memref<128x32xf32, #tpu.memory_space<vmem>>
      %dma_start3A_35 = arith.constant 0 : i32
      %dma_start3A_36 = tpu.memref_slice %arg5[%add3A_31, %dma_start3A_35] : memref<128x200xi32, #tpu.memory_space<vmem>> -> memref<1x128xi32, #tpu.memory_space<vmem>>
      %dma_start3A_37 = tpu.memref_squeeze %dma_start3A_36 : memref<1x128xi32, #tpu.memory_space<vmem>> -> memref<128xi32, #tpu.memory_space<vmem>>
      %dma_start3A_38 = arith.constant 0 : i32
      %dma_start3A_39 = arith.constant 0 : i32
      %dma_start3A_40 = tpu.memref_slice %arg3[%dma_start3A_38, %dma_start3A_39] : memref<1000000x32xf32, #tpu.memory_space<hbm>> -> memref<1000000x32xf32, #tpu.memory_space<hbm>>
      tpu.enqueue_indirect_dma source(%dma_start3A_40 : memref<1000000x32xf32, #tpu.memory_space<hbm>>) target(%dma_start3A_34 : memref<128x32xf32, #tpu.memory_space<vmem>>) offsets(%dma_start3A_37 : memref<128xi32, #tpu.memory_space<vmem>>) semaphore(%arg10 : memref<!tpu.dma_semaphore, #tpu.memory_space<semaphore_mem>>)
      %dma_start3A_41 = arith.constant 128 : i32
      %dma_start3A_42 = arith.constant 0 : i32
      %dma_start3A_43 = tpu.memref_slice %arg7[%dma_start3A_41, %dma_start3A_42] : memref<200x32xf32, #tpu.memory_space<vmem>> -> memref<72x32xf32, #tpu.memory_space<vmem>>
      %dma_start3A_44 = arith.constant 128 : i32
      %dma_start3A_45 = tpu.memref_slice %arg5[%add3A_31, %dma_start3A_44] : memref<128x200xi32, #tpu.memory_space<vmem>> -> memref<1x72xi32, #tpu.memory_space<vmem>>
      %dma_start3A_46 = tpu.memref_squeeze %dma_start3A_45 : memref<1x72xi32, #tpu.memory_space<vmem>> -> memref<72xi32, #tpu.memory_space<vmem>>
      %dma_start3A_47 = arith.constant 0 : i32
      %dma_start3A_48 = arith.constant 0 : i32
      %dma_start3A_49 = tpu.memref_slice %arg3[%dma_start3A_47, %dma_start3A_48] : memref<1000000x32xf32, #tpu.memory_space<hbm>> -> memref<1000000x32xf32, #tpu.memory_space<hbm>>
      tpu.enqueue_indirect_dma source(%dma_start3A_49 : memref<1000000x32xf32, #tpu.memory_space<hbm>>) target(%dma_start3A_43 : memref<72x32xf32, #tpu.memory_space<vmem>>) offsets(%dma_start3A_46 : memref<72xi32, #tpu.memory_space<vmem>>) semaphore(%arg10 : memref<!tpu.dma_semaphore, #tpu.memory_space<semaphore_mem>>)
      %dma_wait3A = arith.constant 0 : i32
      %dma_wait3A_50 = arith.constant 0 : i32
      %dma_wait3A_51 = arith.constant 0 : i32
      %dma_wait3A_52 = tpu.memref_slice %arg6[%dma_wait3A_50, %dma_wait3A_51] : memref<200x32xf32, #tpu.memory_space<vmem>> -> memref<128x32xf32, #tpu.memory_space<vmem>>
      %dma_wait3A_53 = arith.constant 0 : i32
      %dma_wait3A_54 = tpu.memref_slice %arg5[%dma_wait3A, %dma_wait3A_53] : memref<128x200xi32, #tpu.memory_space<vmem>> -> memref<1x128xi32, #tpu.memory_space<vmem>>
      %dma_wait3A_55 = tpu.memref_squeeze %dma_wait3A_54 : memref<1x128xi32, #tpu.memory_space<vmem>> -> memref<128xi32, #tpu.memory_space<vmem>>
      %dma_wait3A_56 = arith.constant 0 : i32
      %dma_wait3A_57 = arith.constant 0 : i32
      %dma_wait3A_58 = tpu.memref_slice %arg3[%dma_wait3A_56, %dma_wait3A_57] : memref<1000000x32xf32, #tpu.memory_space<hbm>> -> memref<1000000x32xf32, #tpu.memory_space<hbm>>
      tpu.wait_indirect_dma semaphore(%arg9 : memref<!tpu.dma_semaphore, #tpu.memory_space<semaphore_mem>>) src(%dma_wait3A_58 : memref<1000000x32xf32, #tpu.memory_space<hbm>>) dst(%dma_wait3A_52 : memref<128x32xf32, #tpu.memory_space<vmem>>)
      %dma_wait3A_59 = arith.constant 0 : i32
      %dma_wait3A_60 = arith.constant 128 : i32
      %dma_wait3A_61 = arith.constant 0 : i32
      %dma_wait3A_62 = tpu.memref_slice %arg6[%dma_wait3A_60, %dma_wait3A_61] : memref<200x32xf32, #tpu.memory_space<vmem>> -> memref<72x32xf32, #tpu.memory_space<vmem>>
      %dma_wait3A_63 = arith.constant 128 : i32
      %dma_wait3A_64 = tpu.memref_slice %arg5[%dma_wait3A_59, %dma_wait3A_63] : memref<128x200xi32, #tpu.memory_space<vmem>> -> memref<1x72xi32, #tpu.memory_space<vmem>>
      %dma_wait3A_65 = tpu.memref_squeeze %dma_wait3A_64 : memref<1x72xi32, #tpu.memory_space<vmem>> -> memref<72xi32, #tpu.memory_space<vmem>>
      %dma_wait3A_66 = arith.constant 0 : i32
      %dma_wait3A_67 = arith.constant 0 : i32
      %dma_wait3A_68 = tpu.memref_slice %arg3[%dma_wait3A_66, %dma_wait3A_67] : memref<1000000x32xf32, #tpu.memory_space<hbm>> -> memref<1000000x32xf32, #tpu.memory_space<hbm>>
      tpu.wait_indirect_dma semaphore(%arg9 : memref<!tpu.dma_semaphore, #tpu.memory_space<semaphore_mem>>) src(%dma_wait3A_68 : memref<1000000x32xf32, #tpu.memory_space<hbm>>) dst(%dma_wait3A_62 : memref<72x32xf32, #tpu.memory_space<vmem>>)
      %broadcast_in_dim3A = arith.constant 0.000000e+00 : f32
      %broadcast_in_dim3A_69 = vector.broadcast %broadcast_in_dim3A : f32 to vector<16xf32>
      %scan3A_70 = arith.constant 0 : i32
      %scan3A_71 = arith.constant 25 : i32
      %scan3A_72 = arith.addi %scan3A_70, %scan3A_71 : i32
      %scan3A_73 = arith.constant 1 : i32
      %scan3A_74:4 = scf.for %scan3A_145 = %scan3A_70 to %scan3A_72 step %scan3A_73 iter_args(%scan3A_146 = %broadcast_in_dim3A_69, %scan3A_147 = %broadcast_in_dim3A_69, %scan3A_148 = %broadcast_in_dim3A_69, %scan3A_149 = %broadcast_in_dim3A_69) -> (vector<16xf32>, vector<16xf32>, vector<16xf32>, vector<16xf32>)  : i32 {
        %mul3A_150 = arith.constant 8 : i32
        %mul3A_151 = arith.muli %scan3A_145, %mul3A_150 : i32
        %add3A_152 = arith.constant 0 : i32
        %add3A_153 = arith.addi %mul3A_151, %add3A_152 : i32
        %get3A = arith.index_cast %add3A_153 : i32 to index
        %get3A_154 = arith.constant 0 : index
        %get3A_155 = tpu.vector_load %arg6[%get3A, %get3A_154] {strides = array<i32>} : memref<200x32xf32, #tpu.memory_space<vmem>>, vector<1x16xf32>,
        %get3A_156 = vector.shape_cast %get3A_155 : vector<1x16xf32> to vector<16xf32>
        %add3A_157 = arith.addf %scan3A_146, %get3A_156 : vector<16xf32>
        %add3A_158 = arith.constant 0 : i32
        %add3A_159 = arith.addi %mul3A_151, %add3A_158 : i32
        %get3A_160 = arith.index_cast %add3A_159 : i32 to index
        %get3A_161 = arith.constant 16 : index
        %get3A_162 = tpu.vector_load %arg6[%get3A_160, %get3A_161] {strides = array<i32>} : memref<200x32xf32, #tpu.memory_space<vmem>>, vector<1x16xf32>,
        %get3A_163 = vector.shape_cast %get3A_162 : vector<1x16xf32> to vector<16xf32>
        %add3A_164 = arith.addf %scan3A_148, %get3A_163 : vector<16xf32>
        %add3A_165 = arith.constant 1 : i32
        %add3A_166 = arith.addi %mul3A_151, %add3A_165 : i32
        %get3A_167 = arith.index_cast %add3A_166 : i32 to index
        %get3A_168 = arith.constant 0 : index
        %get3A_169 = tpu.vector_load %arg6[%get3A_167, %get3A_168] {strides = array<i32>} : memref<200x32xf32, #tpu.memory_space<vmem>>, vector<1x16xf32>,
        %get3A_170 = vector.shape_cast %get3A_169 : vector<1x16xf32> to vector<16xf32>
        %add3A_171 = arith.addf %scan3A_147, %get3A_170 : vector<16xf32>
        %add3A_172 = arith.constant 1 : i32
        %add3A_173 = arith.addi %mul3A_151, %add3A_172 : i32
        %get3A_174 = arith.index_cast %add3A_173 : i32 to index
        %get3A_175 = arith.constant 16 : index
        %get3A_176 = tpu.vector_load %arg6[%get3A_174, %get3A_175] {strides = array<i32>} : memref<200x32xf32, #tpu.memory_space<vmem>>, vector<1x16xf32>,
        %get3A_177 = vector.shape_cast %get3A_176 : vector<1x16xf32> to vector<16xf32>
        %add3A_178 = arith.addf %scan3A_149, %get3A_177 : vector<16xf32>
        %add3A_179 = arith.constant 2 : i32
        %add3A_180 = arith.addi %mul3A_151, %add3A_179 : i32
        %get3A_181 = arith.index_cast %add3A_180 : i32 to index
        %get3A_182 = arith.constant 0 : index
        %get3A_183 = tpu.vector_load %arg6[%get3A_181, %get3A_182] {strides = array<i32>} : memref<200x32xf32, #tpu.memory_space<vmem>>, vector<1x16xf32>,
        %get3A_184 = vector.shape_cast %get3A_183 : vector<1x16xf32> to vector<16xf32>
        %add3A_185 = arith.addf %add3A_157, %get3A_184 : vector<16xf32>
        %add3A_186 = arith.constant 2 : i32
        %add3A_187 = arith.addi %mul3A_151, %add3A_186 : i32
        %get3A_188 = arith.index_cast %add3A_187 : i32 to index
        %get3A_189 = arith.constant 16 : index
        %get3A_190 = tpu.vector_load %arg6[%get3A_188, %get3A_189] {strides = array<i32>} : memref<200x32xf32, #tpu.memory_space<vmem>>, vector<1x16xf32>,
        %get3A_191 = vector.shape_cast %get3A_190 : vector<1x16xf32> to vector<16xf32>
        %add3A_192 = arith.addf %add3A_164, %get3A_191 : vector<16xf32>
        %add3A_193 = arith.constant 3 : i32
        %add3A_194 = arith.addi %mul3A_151, %add3A_193 : i32
        %get3A_195 = arith.index_cast %add3A_194 : i32 to index
        %get3A_196 = arith.constant 0 : index
        %get3A_197 = tpu.vector_load %arg6[%get3A_195, %get3A_196] {strides = array<i32>} : memref<200x32xf32, #tpu.memory_space<vmem>>, vector<1x16xf32>,
        %get3A_198 = vector.shape_cast %get3A_197 : vector<1x16xf32> to vector<16xf32>
        %add3A_199 = arith.addf %add3A_171, %get3A_198 : vector<16xf32>
        %add3A_200 = arith.constant 3 : i32
        %add3A_201 = arith.addi %mul3A_151, %add3A_200 : i32
        %get3A_202 = arith.index_cast %add3A_201 : i32 to index
        %get3A_203 = arith.constant 16 : index
        %get3A_204 = tpu.vector_load %arg6[%get3A_202, %get3A_203] {strides = array<i32>} : memref<200x32xf32, #tpu.memory_space<vmem>>, vector<1x16xf32>,
        %get3A_205 = vector.shape_cast %get3A_204 : vector<1x16xf32> to vector<16xf32>
        %add3A_206 = arith.addf %add3A_178, %get3A_205 : vector<16xf32>
        %add3A_207 = arith.constant 4 : i32
        %add3A_208 = arith.addi %mul3A_151, %add3A_207 : i32
        %get3A_209 = arith.index_cast %add3A_208 : i32 to index
        %get3A_210 = arith.constant 0 : index
        %get3A_211 = tpu.vector_load %arg6[%get3A_209, %get3A_210] {strides = array<i32>} : memref<200x32xf32, #tpu.memory_space<vmem>>, vector<1x16xf32>,
        %get3A_212 = vector.shape_cast %get3A_211 : vector<1x16xf32> to vector<16xf32>
        %add3A_213 = arith.addf %add3A_185, %get3A_212 : vector<16xf32>
        %add3A_214 = arith.constant 4 : i32
        %add3A_215 = arith.addi %mul3A_151, %add3A_214 : i32
        %get3A_216 = arith.index_cast %add3A_215 : i32 to index
        %get3A_217 = arith.constant 16 : index
        %get3A_218 = tpu.vector_load %arg6[%get3A_216, %get3A_217] {strides = array<i32>} : memref<200x32xf32, #tpu.memory_space<vmem>>, vector<1x16xf32>,
        %get3A_219 = vector.shape_cast %get3A_218 : vector<1x16xf32> to vector<16xf32>
        %add3A_220 = arith.addf %add3A_192, %get3A_219 : vector<16xf32>
        %add3A_221 = arith.constant 5 : i32
        %add3A_222 = arith.addi %mul3A_151, %add3A_221 : i32
        %get3A_223 = arith.index_cast %add3A_222 : i32 to index
        %get3A_224 = arith.constant 0 : index
        %get3A_225 = tpu.vector_load %arg6[%get3A_223, %get3A_224] {strides = array<i32>} : memref<200x32xf32, #tpu.memory_space<vmem>>, vector<1x16xf32>,
        %get3A_226 = vector.shape_cast %get3A_225 : vector<1x16xf32> to vector<16xf32>
        %add3A_227 = arith.addf %add3A_199, %get3A_226 : vector<16xf32>
        %add3A_228 = arith.constant 5 : i32
        %add3A_229 = arith.addi %mul3A_151, %add3A_228 : i32
        %get3A_230 = arith.index_cast %add3A_229 : i32 to index
        %get3A_231 = arith.constant 16 : index
        %get3A_232 = tpu.vector_load %arg6[%get3A_230, %get3A_231] {strides = array<i32>} : memref<200x32xf32, #tpu.memory_space<vmem>>, vector<1x16xf32>,
        %get3A_233 = vector.shape_cast %get3A_232 : vector<1x16xf32> to vector<16xf32>
        %add3A_234 = arith.addf %add3A_206, %get3A_233 : vector<16xf32>
        %add3A_235 = arith.constant 6 : i32
        %add3A_236 = arith.addi %mul3A_151, %add3A_235 : i32
        %get3A_237 = arith.index_cast %add3A_236 : i32 to index
        %get3A_238 = arith.constant 0 : index
        %get3A_239 = tpu.vector_load %arg6[%get3A_237, %get3A_238] {strides = array<i32>} : memref<200x32xf32, #tpu.memory_space<vmem>>, vector<1x16xf32>,
        %get3A_240 = vector.shape_cast %get3A_239 : vector<1x16xf32> to vector<16xf32>
        %add3A_241 = arith.addf %add3A_213, %get3A_240 : vector<16xf32>
        %add3A_242 = arith.constant 6 : i32
        %add3A_243 = arith.addi %mul3A_151, %add3A_242 : i32
        %get3A_244 = arith.index_cast %add3A_243 : i32 to index
        %get3A_245 = arith.constant 16 : index
        %get3A_246 = tpu.vector_load %arg6[%get3A_244, %get3A_245] {strides = array<i32>} : memref<200x32xf32, #tpu.memory_space<vmem>>, vector<1x16xf32>,
        %get3A_247 = vector.shape_cast %get3A_246 : vector<1x16xf32> to vector<16xf32>
        %add3A_248 = arith.addf %add3A_220, %get3A_247 : vector<16xf32>
        %add3A_249 = arith.constant 7 : i32
        %add3A_250 = arith.addi %mul3A_151, %add3A_249 : i32
        %get3A_251 = arith.index_cast %add3A_250 : i32 to index
        %get3A_252 = arith.constant 0 : index
        %get3A_253 = tpu.vector_load %arg6[%get3A_251, %get3A_252] {strides = array<i32>} : memref<200x32xf32, #tpu.memory_space<vmem>>, vector<1x16xf32>,
        %get3A_254 = vector.shape_cast %get3A_253 : vector<1x16xf32> to vector<16xf32>
        %add3A_255 = arith.addf %add3A_227, %get3A_254 : vector<16xf32>
        %add3A_256 = arith.constant 7 : i32
        %add3A_257 = arith.addi %mul3A_151, %add3A_256 : i32
        %get3A_258 = arith.index_cast %add3A_257 : i32 to index
        %get3A_259 = arith.constant 16 : index
        %get3A_260 = tpu.vector_load %arg6[%get3A_258, %get3A_259] {strides = array<i32>} : memref<200x32xf32, #tpu.memory_space<vmem>>, vector<1x16xf32>,
        %get3A_261 = vector.shape_cast %get3A_260 : vector<1x16xf32> to vector<16xf32>
        %add3A_262 = arith.addf %add3A_234, %get3A_261 : vector<16xf32>
        scf.yield %add3A_241, %add3A_255, %add3A_248, %add3A_262 : vector<16xf32>, vector<16xf32>, vector<16xf32>, vector<16xf32>
      }
      %scan3A_75 = arith.constant 25 : i32
      %add3A_76 = arith.addf %scan3A_74#0, %scan3A_74#1 : vector<16xf32>
      %mul3A_77 = arith.constant 5.000000e-03 : f32
      %mul3A_78 = vector.broadcast %mul3A_77 : f32 to vector<16xf32>
      %mul3A_79 = arith.mulf %add3A_76, %mul3A_78 : vector<16xf32>
      %swap3A = arith.index_cast %mul3A_29 : i32 to index
      %swap3A_80 = arith.constant 0 : index
      %swap3A_81 = tpu.vector_load %arg8[%swap3A, %swap3A_80] {strides = array<i32>} : memref<128x32xf32, #tpu.memory_space<vmem>>, vector<1x16xf32>,
      %swap3A_82 = vector.shape_cast %swap3A_81 : vector<1x16xf32> to vector<16xf32>
      %swap3A_83 = vector.shape_cast %mul3A_79 : vector<16xf32> to vector<1x16xf32>
      tpu.vector_store %arg8[%swap3A, %swap3A_80], %swap3A_83 {strides = array<i32>} : memref<128x32xf32, #tpu.memory_space<vmem>>, vector<1x16xf32>,
      %add3A_84 = arith.addf %scan3A_74#2, %scan3A_74#3 : vector<16xf32>
      %mul3A_85 = arith.constant 5.000000e-03 : f32
      %mul3A_86 = vector.broadcast %mul3A_85 : f32 to vector<16xf32>
      %mul3A_87 = arith.mulf %add3A_84, %mul3A_86 : vector<16xf32>
      %swap3A_88 = arith.index_cast %mul3A_29 : i32 to index
      %swap3A_89 = arith.constant 16 : index
      %swap3A_90 = tpu.vector_load %arg8[%swap3A_88, %swap3A_89] {strides = array<i32>} : memref<128x32xf32, #tpu.memory_space<vmem>>, vector<1x16xf32>,
      %swap3A_91 = vector.shape_cast %swap3A_90 : vector<1x16xf32> to vector<16xf32>
      %swap3A_92 = vector.shape_cast %mul3A_87 : vector<16xf32> to vector<1x16xf32>
      tpu.vector_store %arg8[%swap3A_88, %swap3A_89], %swap3A_92 {strides = array<i32>} : memref<128x32xf32, #tpu.memory_space<vmem>>, vector<1x16xf32>,
      %add3A_93 = arith.constant 2 : i32
      %add3A_94 = arith.addi %mul3A_29, %add3A_93 : i32
      %lt3A = arith.constant 128 : i32
      %lt3A_95 = arith.cmpi slt, %add3A_94, %lt3A : i32
      %convert_element_type3A = arith.extui %lt3A_95 : i1 to i32
      %cond3A = arith.constant 0 : i32
      %cond3A_96 = arith.cmpi ne, %convert_element_type3A, %cond3A : i32
      scf.if %cond3A_96 {
        %add3A_145 = arith.constant 2 : i32
        %add3A_146 = arith.addi %mul3A_29, %add3A_145 : i32
        %dma_start3A_147 = arith.constant 0 : i32
        %dma_start3A_148 = arith.constant 0 : i32
        %dma_start3A_149 = tpu.memref_slice %arg6[%dma_start3A_147, %dma_start3A_148] : memref<200x32xf32, #tpu.memory_space<vmem>> -> memref<128x32xf32, #tpu.memory_space<vmem>>
        %dma_start3A_150 = arith.constant 0 : i32
        %dma_start3A_151 = tpu.memref_slice %arg5[%add3A_146, %dma_start3A_150] : memref<128x200xi32, #tpu.memory_space<vmem>> -> memref<1x128xi32, #tpu.memory_space<vmem>>
        %dma_start3A_152 = tpu.memref_squeeze %dma_start3A_151 : memref<1x128xi32, #tpu.memory_space<vmem>> -> memref<128xi32, #tpu.memory_space<vmem>>
        %dma_start3A_153 = arith.constant 0 : i32
        %dma_start3A_154 = arith.constant 0 : i32
        %dma_start3A_155 = tpu.memref_slice %arg3[%dma_start3A_153, %dma_start3A_154] : memref<1000000x32xf32, #tpu.memory_space<hbm>> -> memref<1000000x32xf32, #tpu.memory_space<hbm>>
        tpu.enqueue_indirect_dma source(%dma_start3A_155 : memref<1000000x32xf32, #tpu.memory_space<hbm>>) target(%dma_start3A_149 : memref<128x32xf32, #tpu.memory_space<vmem>>) offsets(%dma_start3A_152 : memref<128xi32, #tpu.memory_space<vmem>>) semaphore(%arg9 : memref<!tpu.dma_semaphore, #tpu.memory_space<semaphore_mem>>)
        %dma_start3A_156 = arith.constant 128 : i32
        %dma_start3A_157 = arith.constant 0 : i32
        %dma_start3A_158 = tpu.memref_slice %arg6[%dma_start3A_156, %dma_start3A_157] : memref<200x32xf32, #tpu.memory_space<vmem>> -> memref<72x32xf32, #tpu.memory_space<vmem>>
        %dma_start3A_159 = arith.constant 128 : i32
        %dma_start3A_160 = tpu.memref_slice %arg5[%add3A_146, %dma_start3A_159] : memref<128x200xi32, #tpu.memory_space<vmem>> -> memref<1x72xi32, #tpu.memory_space<vmem>>
        %dma_start3A_161 = tpu.memref_squeeze %dma_start3A_160 : memref<1x72xi32, #tpu.memory_space<vmem>> -> memref<72xi32, #tpu.memory_space<vmem>>
        %dma_start3A_162 = arith.constant 0 : i32
        %dma_start3A_163 = arith.constant 0 : i32
        %dma_start3A_164 = tpu.memref_slice %arg3[%dma_start3A_162, %dma_start3A_163] : memref<1000000x32xf32, #tpu.memory_space<hbm>> -> memref<1000000x32xf32, #tpu.memory_space<hbm>>
        tpu.enqueue_indirect_dma source(%dma_start3A_164 : memref<1000000x32xf32, #tpu.memory_space<hbm>>) target(%dma_start3A_158 : memref<72x32xf32, #tpu.memory_space<vmem>>) offsets(%dma_start3A_161 : memref<72xi32, #tpu.memory_space<vmem>>) semaphore(%arg9 : memref<!tpu.dma_semaphore, #tpu.memory_space<semaphore_mem>>)
      } else {
      }
      %dma_wait3A_97 = arith.constant 0 : i32
      %dma_wait3A_98 = arith.constant 0 : i32
      %dma_wait3A_99 = arith.constant 0 : i32
      %dma_wait3A_100 = tpu.memref_slice %arg7[%dma_wait3A_98, %dma_wait3A_99] : memref<200x32xf32, #tpu.memory_space<vmem>> -> memref<128x32xf32, #tpu.memory_space<vmem>>
      %dma_wait3A_101 = arith.constant 0 : i32
      %dma_wait3A_102 = tpu.memref_slice %arg5[%dma_wait3A_97, %dma_wait3A_101] : memref<128x200xi32, #tpu.memory_space<vmem>> -> memref<1x128xi32, #tpu.memory_space<vmem>>
      %dma_wait3A_103 = tpu.memref_squeeze %dma_wait3A_102 : memref<1x128xi32, #tpu.memory_space<vmem>> -> memref<128xi32, #tpu.memory_space<vmem>>
      %dma_wait3A_104 = arith.constant 0 : i32
      %dma_wait3A_105 = arith.constant 0 : i32
      %dma_wait3A_106 = tpu.memref_slice %arg3[%dma_wait3A_104, %dma_wait3A_105] : memref<1000000x32xf32, #tpu.memory_space<hbm>> -> memref<1000000x32xf32, #tpu.memory_space<hbm>>
      tpu.wait_indirect_dma semaphore(%arg10 : memref<!tpu.dma_semaphore, #tpu.memory_space<semaphore_mem>>) src(%dma_wait3A_106 : memref<1000000x32xf32, #tpu.memory_space<hbm>>) dst(%dma_wait3A_100 : memref<128x32xf32, #tpu.memory_space<vmem>>)
      %dma_wait3A_107 = arith.constant 0 : i32
      %dma_wait3A_108 = arith.constant 128 : i32
      %dma_wait3A_109 = arith.constant 0 : i32
      %dma_wait3A_110 = tpu.memref_slice %arg7[%dma_wait3A_108, %dma_wait3A_109] : memref<200x32xf32, #tpu.memory_space<vmem>> -> memref<72x32xf32, #tpu.memory_space<vmem>>
      %dma_wait3A_111 = arith.constant 128 : i32
      %dma_wait3A_112 = tpu.memref_slice %arg5[%dma_wait3A_107, %dma_wait3A_111] : memref<128x200xi32, #tpu.memory_space<vmem>> -> memref<1x72xi32, #tpu.memory_space<vmem>>
      %dma_wait3A_113 = tpu.memref_squeeze %dma_wait3A_112 : memref<1x72xi32, #tpu.memory_space<vmem>> -> memref<72xi32, #tpu.memory_space<vmem>>
      %dma_wait3A_114 = arith.constant 0 : i32
      %dma_wait3A_115 = arith.constant 0 : i32
      %dma_wait3A_116 = tpu.memref_slice %arg3[%dma_wait3A_114, %dma_wait3A_115] : memref<1000000x32xf32, #tpu.memory_space<hbm>> -> memref<1000000x32xf32, #tpu.memory_space<hbm>>
      tpu.wait_indirect_dma semaphore(%arg10 : memref<!tpu.dma_semaphore, #tpu.memory_space<semaphore_mem>>) src(%dma_wait3A_116 : memref<1000000x32xf32, #tpu.memory_space<hbm>>) dst(%dma_wait3A_110 : memref<72x32xf32, #tpu.memory_space<vmem>>)
      %add3A_117 = arith.constant 1 : i32
      %add3A_118 = arith.addi %mul3A_29, %add3A_117 : i32
      %broadcast_in_dim3A_119 = arith.constant 0.000000e+00 : f32
      %broadcast_in_dim3A_120 = vector.broadcast %broadcast_in_dim3A_119 : f32 to vector<16xf32>
      %scan3A_121 = arith.constant 0 : i32
      %scan3A_122 = arith.constant 25 : i32
      %scan3A_123 = arith.addi %scan3A_121, %scan3A_122 : i32
      %scan3A_124 = arith.constant 1 : i32
      %scan3A_125:4 = scf.for %scan3A_145 = %scan3A_121 to %scan3A_123 step %scan3A_124 iter_args(%scan3A_146 = %broadcast_in_dim3A_120, %scan3A_147 = %broadcast_in_dim3A_120, %scan3A_148 = %broadcast_in_dim3A_120, %scan3A_149 = %broadcast_in_dim3A_120) -> (vector<16xf32>, vector<16xf32>, vector<16xf32>, vector<16xf32>)  : i32 {
        %mul3A_150 = arith.constant 8 : i32
        %mul3A_151 = arith.muli %scan3A_145, %mul3A_150 : i32
        %add3A_152 = arith.constant 0 : i32
        %add3A_153 = arith.addi %mul3A_151, %add3A_152 : i32
        %get3A = arith.index_cast %add3A_153 : i32 to index
        %get3A_154 = arith.constant 0 : index
        %get3A_155 = tpu.vector_load %arg7[%get3A, %get3A_154] {strides = array<i32>} : memref<200x32xf32, #tpu.memory_space<vmem>>, vector<1x16xf32>,
        %get3A_156 = vector.shape_cast %get3A_155 : vector<1x16xf32> to vector<16xf32>
        %add3A_157 = arith.addf %scan3A_146, %get3A_156 : vector<16xf32>
        %add3A_158 = arith.constant 0 : i32
        %add3A_159 = arith.addi %mul3A_151, %add3A_158 : i32
        %get3A_160 = arith.index_cast %add3A_159 : i32 to index
        %get3A_161 = arith.constant 16 : index
        %get3A_162 = tpu.vector_load %arg7[%get3A_160, %get3A_161] {strides = array<i32>} : memref<200x32xf32, #tpu.memory_space<vmem>>, vector<1x16xf32>,
        %get3A_163 = vector.shape_cast %get3A_162 : vector<1x16xf32> to vector<16xf32>
        %add3A_164 = arith.addf %scan3A_148, %get3A_163 : vector<16xf32>
        %add3A_165 = arith.constant 1 : i32
        %add3A_166 = arith.addi %mul3A_151, %add3A_165 : i32
        %get3A_167 = arith.index_cast %add3A_166 : i32 to index
        %get3A_168 = arith.constant 0 : index
        %get3A_169 = tpu.vector_load %arg7[%get3A_167, %get3A_168] {strides = array<i32>} : memref<200x32xf32, #tpu.memory_space<vmem>>, vector<1x16xf32>,
        %get3A_170 = vector.shape_cast %get3A_169 : vector<1x16xf32> to vector<16xf32>
        %add3A_171 = arith.addf %scan3A_147, %get3A_170 : vector<16xf32>
        %add3A_172 = arith.constant 1 : i32
        %add3A_173 = arith.addi %mul3A_151, %add3A_172 : i32
        %get3A_174 = arith.index_cast %add3A_173 : i32 to index
        %get3A_175 = arith.constant 16 : index
        %get3A_176 = tpu.vector_load %arg7[%get3A_174, %get3A_175] {strides = array<i32>} : memref<200x32xf32, #tpu.memory_space<vmem>>, vector<1x16xf32>,
        %get3A_177 = vector.shape_cast %get3A_176 : vector<1x16xf32> to vector<16xf32>
        %add3A_178 = arith.addf %scan3A_149, %get3A_177 : vector<16xf32>
        %add3A_179 = arith.constant 2 : i32
        %add3A_180 = arith.addi %mul3A_151, %add3A_179 : i32
        %get3A_181 = arith.index_cast %add3A_180 : i32 to index
        %get3A_182 = arith.constant 0 : index
        %get3A_183 = tpu.vector_load %arg7[%get3A_181, %get3A_182] {strides = array<i32>} : memref<200x32xf32, #tpu.memory_space<vmem>>, vector<1x16xf32>,
        %get3A_184 = vector.shape_cast %get3A_183 : vector<1x16xf32> to vector<16xf32>
        %add3A_185 = arith.addf %add3A_157, %get3A_184 : vector<16xf32>
        %add3A_186 = arith.constant 2 : i32
        %add3A_187 = arith.addi %mul3A_151, %add3A_186 : i32
        %get3A_188 = arith.index_cast %add3A_187 : i32 to index
        %get3A_189 = arith.constant 16 : index
        %get3A_190 = tpu.vector_load %arg7[%get3A_188, %get3A_189] {strides = array<i32>} : memref<200x32xf32, #tpu.memory_space<vmem>>, vector<1x16xf32>,
        %get3A_191 = vector.shape_cast %get3A_190 : vector<1x16xf32> to vector<16xf32>
        %add3A_192 = arith.addf %add3A_164, %get3A_191 : vector<16xf32>
        %add3A_193 = arith.constant 3 : i32
        %add3A_194 = arith.addi %mul3A_151, %add3A_193 : i32
        %get3A_195 = arith.index_cast %add3A_194 : i32 to index
        %get3A_196 = arith.constant 0 : index
        %get3A_197 = tpu.vector_load %arg7[%get3A_195, %get3A_196] {strides = array<i32>} : memref<200x32xf32, #tpu.memory_space<vmem>>, vector<1x16xf32>,
        %get3A_198 = vector.shape_cast %get3A_197 : vector<1x16xf32> to vector<16xf32>
        %add3A_199 = arith.addf %add3A_171, %get3A_198 : vector<16xf32>
        %add3A_200 = arith.constant 3 : i32
        %add3A_201 = arith.addi %mul3A_151, %add3A_200 : i32
        %get3A_202 = arith.index_cast %add3A_201 : i32 to index
        %get3A_203 = arith.constant 16 : index
        %get3A_204 = tpu.vector_load %arg7[%get3A_202, %get3A_203] {strides = array<i32>} : memref<200x32xf32, #tpu.memory_space<vmem>>, vector<1x16xf32>,
        %get3A_205 = vector.shape_cast %get3A_204 : vector<1x16xf32> to vector<16xf32>
        %add3A_206 = arith.addf %add3A_178, %get3A_205 : vector<16xf32>
        %add3A_207 = arith.constant 4 : i32
        %add3A_208 = arith.addi %mul3A_151, %add3A_207 : i32
        %get3A_209 = arith.index_cast %add3A_208 : i32 to index
        %get3A_210 = arith.constant 0 : index
        %get3A_211 = tpu.vector_load %arg7[%get3A_209, %get3A_210] {strides = array<i32>} : memref<200x32xf32, #tpu.memory_space<vmem>>, vector<1x16xf32>,
        %get3A_212 = vector.shape_cast %get3A_211 : vector<1x16xf32> to vector<16xf32>
        %add3A_213 = arith.addf %add3A_185, %get3A_212 : vector<16xf32>
        %add3A_214 = arith.constant 4 : i32
        %add3A_215 = arith.addi %mul3A_151, %add3A_214 : i32
        %get3A_216 = arith.index_cast %add3A_215 : i32 to index
        %get3A_217 = arith.constant 16 : index
        %get3A_218 = tpu.vector_load %arg7[%get3A_216, %get3A_217] {strides = array<i32>} : memref<200x32xf32, #tpu.memory_space<vmem>>, vector<1x16xf32>,
        %get3A_219 = vector.shape_cast %get3A_218 : vector<1x16xf32> to vector<16xf32>
        %add3A_220 = arith.addf %add3A_192, %get3A_219 : vector<16xf32>
        %add3A_221 = arith.constant 5 : i32
        %add3A_222 = arith.addi %mul3A_151, %add3A_221 : i32
        %get3A_223 = arith.index_cast %add3A_222 : i32 to index
        %get3A_224 = arith.constant 0 : index
        %get3A_225 = tpu.vector_load %arg7[%get3A_223, %get3A_224] {strides = array<i32>} : memref<200x32xf32, #tpu.memory_space<vmem>>, vector<1x16xf32>,
        %get3A_226 = vector.shape_cast %get3A_225 : vector<1x16xf32> to vector<16xf32>
        %add3A_227 = arith.addf %add3A_199, %get3A_226 : vector<16xf32>
        %add3A_228 = arith.constant 5 : i32
        %add3A_229 = arith.addi %mul3A_151, %add3A_228 : i32
        %get3A_230 = arith.index_cast %add3A_229 : i32 to index
        %get3A_231 = arith.constant 16 : index
        %get3A_232 = tpu.vector_load %arg7[%get3A_230, %get3A_231] {strides = array<i32>} : memref<200x32xf32, #tpu.memory_space<vmem>>, vector<1x16xf32>,
        %get3A_233 = vector.shape_cast %get3A_232 : vector<1x16xf32> to vector<16xf32>
        %add3A_234 = arith.addf %add3A_206, %get3A_233 : vector<16xf32>
        %add3A_235 = arith.constant 6 : i32
        %add3A_236 = arith.addi %mul3A_151, %add3A_235 : i32
        %get3A_237 = arith.index_cast %add3A_236 : i32 to index
        %get3A_238 = arith.constant 0 : index
        %get3A_239 = tpu.vector_load %arg7[%get3A_237, %get3A_238] {strides = array<i32>} : memref<200x32xf32, #tpu.memory_space<vmem>>, vector<1x16xf32>,
        %get3A_240 = vector.shape_cast %get3A_239 : vector<1x16xf32> to vector<16xf32>
        %add3A_241 = arith.addf %add3A_213, %get3A_240 : vector<16xf32>
        %add3A_242 = arith.constant 6 : i32
        %add3A_243 = arith.addi %mul3A_151, %add3A_242 : i32
        %get3A_244 = arith.index_cast %add3A_243 : i32 to index
        %get3A_245 = arith.constant 16 : index
        %get3A_246 = tpu.vector_load %arg7[%get3A_244, %get3A_245] {strides = array<i32>} : memref<200x32xf32, #tpu.memory_space<vmem>>, vector<1x16xf32>,
        %get3A_247 = vector.shape_cast %get3A_246 : vector<1x16xf32> to vector<16xf32>
        %add3A_248 = arith.addf %add3A_220, %get3A_247 : vector<16xf32>
        %add3A_249 = arith.constant 7 : i32
        %add3A_250 = arith.addi %mul3A_151, %add3A_249 : i32
        %get3A_251 = arith.index_cast %add3A_250 : i32 to index
        %get3A_252 = arith.constant 0 : index
        %get3A_253 = tpu.vector_load %arg7[%get3A_251, %get3A_252] {strides = array<i32>} : memref<200x32xf32, #tpu.memory_space<vmem>>, vector<1x16xf32>,
        %get3A_254 = vector.shape_cast %get3A_253 : vector<1x16xf32> to vector<16xf32>
        %add3A_255 = arith.addf %add3A_227, %get3A_254 : vector<16xf32>
        %add3A_256 = arith.constant 7 : i32
        %add3A_257 = arith.addi %mul3A_151, %add3A_256 : i32
        %get3A_258 = arith.index_cast %add3A_257 : i32 to index
        %get3A_259 = arith.constant 16 : index
        %get3A_260 = tpu.vector_load %arg7[%get3A_258, %get3A_259] {strides = array<i32>} : memref<200x32xf32, #tpu.memory_space<vmem>>, vector<1x16xf32>,
        %get3A_261 = vector.shape_cast %get3A_260 : vector<1x16xf32> to vector<16xf32>
        %add3A_262 = arith.addf %add3A_234, %get3A_261 : vector<16xf32>
        scf.yield %add3A_241, %add3A_255, %add3A_248, %add3A_262 : vector<16xf32>, vector<16xf32>, vector<16xf32>, vector<16xf32>
      }
      %scan3A_126 = arith.constant 25 : i32
      %add3A_127 = arith.addf %scan3A_125#0, %scan3A_125#1 : vector<16xf32>
      %mul3A_128 = arith.constant 5.000000e-03 : f32
      %mul3A_129 = vector.broadcast %mul3A_128 : f32 to vector<16xf32>
      %mul3A_130 = arith.mulf %add3A_127, %mul3A_129 : vector<16xf32>
      %swap3A_131 = arith.index_cast %add3A_118 : i32 to index
      %swap3A_132 = arith.constant 0 : index
      %swap3A_133 = tpu.vector_load %arg8[%swap3A_131, %swap3A_132] {strides = array<i32>} : memref<128x32xf32, #tpu.memory_space<vmem>>, vector<1x16xf32>,
      %swap3A_134 = vector.shape_cast %swap3A_133 : vector<1x16xf32> to vector<16xf32>
      %swap3A_135 = vector.shape_cast %mul3A_130 : vector<16xf32> to vector<1x16xf32>
      tpu.vector_store %arg8[%swap3A_131, %swap3A_132], %swap3A_135 {strides = array<i32>} : memref<128x32xf32, #tpu.memory_space<vmem>>, vector<1x16xf32>,
      %add3A_136 = arith.addf %scan3A_125#2, %scan3A_125#3 : vector<16xf32>
      %mul3A_137 = arith.constant 5.000000e-03 : f32
      %mul3A_138 = vector.broadcast %mul3A_137 : f32 to vector<16xf32>
      %mul3A_139 = arith.mulf %add3A_136, %mul3A_138 : vector<16xf32>
      %swap3A_140 = arith.index_cast %add3A_118 : i32 to index
      %swap3A_141 = arith.constant 16 : index
      %swap3A_142 = tpu.vector_load %arg8[%swap3A_140, %swap3A_141] {strides = array<i32>} : memref<128x32xf32, #tpu.memory_space<vmem>>, vector<1x16xf32>,
      %swap3A_143 = vector.shape_cast %swap3A_142 : vector<1x16xf32> to vector<16xf32>
      %swap3A_144 = vector.shape_cast %mul3A_139 : vector<16xf32> to vector<1x16xf32>
      tpu.vector_store %arg8[%swap3A_140, %swap3A_141], %swap3A_144 {strides = array<i32>} : memref<128x32xf32, #tpu.memory_space<vmem>>, vector<1x16xf32>,
    }
    %scan3A_26 = arith.constant 64 : i32
    "tpu.region"() ({
      %run_scoped3A = tpu.sem_alloc : memref<!tpu.dma_semaphore, #tpu.memory_space<semaphore_mem>>
      %dma_start3A_27 = arith.constant 0 : i32
      %dma_start3A_28 = tpu.memref_slice %arg4[%mul3A_2, %dma_start3A_27] : memref<4096x32xf32, #tpu.memory_space<hbm>> -> memref<128x32xf32, #tpu.memory_space<hbm>>
      %dma_start3A_29 = arith.constant 0 : i32
      %dma_start3A_30 = tpu.memref_slice %arg4[%mul3A_2, %dma_start3A_29] : memref<4096x32xf32, #tpu.memory_space<hbm>> -> memref<128x32xf32, #tpu.memory_space<hbm>>
      tpu.enqueue_dma source(%arg8 : memref<128x32xf32, #tpu.memory_space<vmem>>) target(%dma_start3A_30 : memref<128x32xf32, #tpu.memory_space<hbm>>) target_semaphore(%run_scoped3A : memref<!tpu.dma_semaphore, #tpu.memory_space<semaphore_mem>>)
      %dma_wait3A = arith.constant 0 : i32
      %dma_wait3A_31 = tpu.memref_slice %arg4[%mul3A_2, %dma_wait3A] : memref<4096x32xf32, #tpu.memory_space<hbm>> -> memref<128x32xf32, #tpu.memory_space<hbm>>
      %dma_wait3A_32 = arith.constant 0 : i32
      %dma_wait3A_33 = tpu.memref_slice %arg4[%mul3A_2, %dma_wait3A_32] : memref<4096x32xf32, #tpu.memory_space<hbm>> -> memref<128x32xf32, #tpu.memory_space<hbm>>
      tpu.wait_dma2 semaphore(%run_scoped3A : memref<!tpu.dma_semaphore, #tpu.memory_space<semaphore_mem>>) src(%arg8 : memref<128x32xf32, #tpu.memory_space<vmem>>) dst(%dma_wait3A_33 : memref<128x32xf32, #tpu.memory_space<hbm>>)
      tpu.yield
    }) : () -> ()
    return
  }
}

module attributes {stable_mosaic.version = 14 : i64} {
  func.func @mlp_kernel(%arg0: memref<4096x32xf32, #tpu.memory_space<vmem>>, %arg1: memref<32x64xf32, #tpu.memory_space<vmem>>, %arg2: memref<1x64xf32, #tpu.memory_space<vmem>>, %arg3: memref<64x32xf32, #tpu.memory_space<vmem>>, %arg4: memref<1x32xf32, #tpu.memory_space<vmem>>, %arg5: memref<32x10xf32, #tpu.memory_space<vmem>>, %arg6: memref<1x10xf32, #tpu.memory_space<vmem>>, %arg7: memref<4096x10xf32, #tpu.memory_space<vmem>>) attributes {dimension_semantics = [], scalar_prefetch = 0 : i64, scratch_operands = 0 : i64, tpu.core_type = #tpu.core_type<tc>} {
    %get3A = arith.constant 0 : index
    %get3A_0 = arith.constant 0 : index
    %get3A_1 = vector.load %arg0[%get3A, %get3A_0] : memref<4096x32xf32, #tpu.memory_space<vmem>>, vector<4096x32xf32>
    %get3A_2 = arith.constant 0 : index
    %get3A_3 = arith.constant 0 : index
    %get3A_4 = vector.load %arg1[%get3A_2, %get3A_3] : memref<32x64xf32, #tpu.memory_space<vmem>>, vector<32x64xf32>
    %dot_general3A = arith.constant dense<0.000000e+00> : vector<4096x64xf32>
    %dot_general3A_5 = tpu.matmul %get3A_1, %get3A_4, %dot_general3A {dimension_numbers = #tpu.dot_dimension_numbers<[1], [0], [0], [1], [0, 0, 1, 1], [], []>, transpose_lhs_hint = false} : vector<4096x32xf32>, vector<32x64xf32>, vector<4096x64xf32> -> vector<4096x64xf32>
    %get3A_6 = arith.constant 0 : index
    %get3A_7 = arith.constant 0 : index
    %get3A_8 = vector.load %arg2[%get3A_6, %get3A_7] : memref<1x64xf32, #tpu.memory_space<vmem>>, vector<1x64xf32>
    %add3A = vector.broadcast %get3A_8 : vector<1x64xf32> to vector<4096x64xf32>
    %add3A_9 = arith.addf %dot_general3A_5, %add3A : vector<4096x64xf32>
    %max3A = arith.constant 0.000000e+00 : f32
    %max3A_10 = vector.broadcast %max3A : f32 to vector<4096x64xf32>
    %max3A_11 = arith.maximumf %add3A_9, %max3A_10 : vector<4096x64xf32>
    %get3A_12 = arith.constant 0 : index
    %get3A_13 = arith.constant 0 : index
    %get3A_14 = vector.load %arg3[%get3A_12, %get3A_13] : memref<64x32xf32, #tpu.memory_space<vmem>>, vector<64x32xf32>
    %dot_general3A_15 = arith.constant dense<0.000000e+00> : vector<4096x32xf32>
    %dot_general3A_16 = tpu.matmul %max3A_11, %get3A_14, %dot_general3A_15 {dimension_numbers = #tpu.dot_dimension_numbers<[1], [0], [0], [1], [0, 0, 1, 1], [], []>, transpose_lhs_hint = false} : vector<4096x64xf32>, vector<64x32xf32>, vector<4096x32xf32> -> vector<4096x32xf32>
    %get3A_17 = arith.constant 0 : index
    %get3A_18 = arith.constant 0 : index
    %get3A_19 = vector.load %arg4[%get3A_17, %get3A_18] : memref<1x32xf32, #tpu.memory_space<vmem>>, vector<1x32xf32>
    %add3A_20 = vector.broadcast %get3A_19 : vector<1x32xf32> to vector<4096x32xf32>
    %add3A_21 = arith.addf %dot_general3A_16, %add3A_20 : vector<4096x32xf32>
    %max3A_22 = arith.constant 0.000000e+00 : f32
    %max3A_23 = vector.broadcast %max3A_22 : f32 to vector<4096x32xf32>
    %max3A_24 = arith.maximumf %add3A_21, %max3A_23 : vector<4096x32xf32>
    %get3A_25 = arith.constant 0 : index
    %get3A_26 = arith.constant 0 : index
    %get3A_27 = vector.load %arg5[%get3A_25, %get3A_26] : memref<32x10xf32, #tpu.memory_space<vmem>>, vector<32x10xf32>
    %dot_general3A_28 = arith.constant dense<0.000000e+00> : vector<4096x10xf32>
    %dot_general3A_29 = tpu.matmul %max3A_24, %get3A_27, %dot_general3A_28 {dimension_numbers = #tpu.dot_dimension_numbers<[1], [0], [0], [1], [0, 0, 1, 1], [], []>, transpose_lhs_hint = false} : vector<4096x32xf32>, vector<32x10xf32>, vector<4096x10xf32> -> vector<4096x10xf32>
    %get3A_30 = arith.constant 0 : index
    %get3A_31 = arith.constant 0 : index
    %get3A_32 = vector.load %arg6[%get3A_30, %get3A_31] : memref<1x10xf32, #tpu.memory_space<vmem>>, vector<1x10xf32>
    %add3A_33 = vector.broadcast %get3A_32 : vector<1x10xf32> to vector<4096x10xf32>
    %add3A_34 = arith.addf %dot_general3A_29, %add3A_33 : vector<4096x10xf32>
    %swap3A = arith.constant 0 : index
    %swap3A_35 = arith.constant 0 : index
    %swap3A_36 = vector.load %arg7[%swap3A, %swap3A_35] : memref<4096x10xf32, #tpu.memory_space<vmem>>, vector<4096x10xf32>
    tpu.vector_store %arg7[%swap3A, %swap3A_35], %add3A_34 {strides = array<i32>} : memref<4096x10xf32, #tpu.memory_space<vmem>>, vector<4096x10xf32>,
    return
  }
}

</mosaic_0001>

<sc_bundles>
// kernel: kernel.4.cloned.1.call-start
scs
__scs_entry_jumppad:
0x0: {  	(pc) =	sbr.rel $0x88, $3  }
0x1: {  	(tag) =	ssettag $0x0;
	lr =	simm.s32 $0x1  }
0x2: {  	[smem:$0x3F99] =	sst lr;
	_ =	strace $0xD0000000  }
0x3: {  	_ = 	snop  }
0x4: {  	_ = 	snop  }
0x5: {  	_ = 	snop  }
0x6: {  	_ = 	snop  }
0x7: {  	_ = 	snop  }
__scs_overlays_trampoline_lowered:
0x8: {  	[smem:$0x3FA8] =	sst s0  }
0x9: {  	[smem:$0x3FA9] =	sst s1  }
0xa: {  	[smem:$0x3FAA] =	sst s2  }
0xb: {  	[smem:$0x3FAB] =	sst s3  }
0xc: {  	[smem:$0x3FAC] =	sst s4  }
0xd: {  	[smem:$0x3FAD] =	sst s5  }
0xe: {  	[smem:$0x3FAE] =	sst s6  }
0xf: {  	[smem:$0x3FAF] =	sst s7  }
0x10: {  	[smem:$0x3FB0] =	sst s8  }
0x11: {  	[smem:$0x3FB1] =	sst s9;
	s0 =	simm.s32 @!p0 $0x0  }
0x12: {  	s1 =	sld [smem:$0x3F97];
	s0 =	simm.s32 @p0 $0x1  }
0x13: {  	[smem:$0x3FB2] =	sst s0;
	s0 =	simm.s32 @!p1 $0x0  }
0x14: {  	s2 =	sld [smem:$0x3F96];
	s0 =	simm.s32 @p1 $0x1  }
0x15: {  	[smem:$0x3FB3] =	sst s0;
	s0 =	simm.s32 @!p2 $0x0  }
0x16: {  	s3 =	sld [smem:$0x3FDB];
	s0 =	simm.s32 @p2 $0x1  }
0x17: {  	s4 =	simm.s32 $0x1BF5;
	[smem:$0x3FB5] =	sst s0  }
0x18: {  	s0 =	sld [smem:$0x3F98];
	_ =	swait.ge [sflag:s4], $0x0  }
0x19: {  	s7 =	sld [smem:$0x3F99]  }
0x1a: {  	s8 =	sadd.s32 $0xFFFFE003, lr  }
0x1b: {  	s9 =	sadd.s32 $0xFFFFFEF7, lr;
	s5 =	simm.s32 $0xFFFFFFFF;
	p2 =	slt.u32 s8, $0xFFFFF086  }
0x1c: {  	p1 =	slt.u32 s9, $0xF7A;
	s5 =	simm.s32 @!p2 $0x0  }
0x1d: {  	s5 =	simm.s32 @p1 $0x1;
	p0 =	seq.s32 s7, s2  }
0x1e: {  	s7 =	smul.u32 @!p0 $0xF7A, s2;
	p2 =	seq.s32 @!p0 s5, $0x0  }
0x1f: {  	s9 =	smul.u32 $0xF7A, s1;
	s8 =	simm.s32 @!p0 $0x1BF5;
	p2 =	por !p2, p0  }
0x20: {  	[sflag:s8] =	ssyncset.s32 @!p0 $0xFFFFF086;
	s6 =	sadd.s32 @!p0 s3, s7;
	s7 =	simm.s32 @!p0 $0x108  }
0x21: {  	s3 =	sadd.s32 s3, s9;
	s6 =	sadd.s32 @!p0 $0x88, s6;
	s7 =	simm.s32 @p2 $0x1082  }
0x22: {  	[simem:s7], [sflag:s8] =	dma.local @!p0 [hbm:s6], $0xF7A  }
0x23: {  	s9 =	sor.u32 $0xD0000000, s2;
	s6 =	simm.s32 $0x108;
	_ =	swait.ge @!p0 [sflag:s8], $0x0  }
0x24: {  	s3 =	sadd.s32 $0x88, s3;
	s6 =	simm.s32 @!p1 $0x1082;
	[sflag:s4] =	ssyncset.s32 $0xFFFFF086  }
0x25: {  	[simem:s6], [sflag:s4] =	dma.local [hbm:s3], $0xF7A  }
0x26: {  	[smem:$0x3F99] =	sst s1;
	(tag) =	ssettag s2;
	_ =	strace s9  }
0x27: {  	s1 =	sld [smem:$0x3FA9]  }
0x28: {  	s2 =	sld [smem:$0x3FAA]  }
0x29: {  	s4 =	sld [smem:$0x3FAC]  }
0x2a: {  	p0 =	seq.s32 s5, $0x0;
	s5 =	sld [smem:$0x3FAD]  }
0x2b: {  	s6 =	sld [smem:$0x3FAE]  }
0x2c: {  	s7 =	sld [smem:$0x3FAF]  }
0x2d: {  	s3 =	simm.s32 $0x108;
	s8 =	sld [smem:$0x3FB0]  }
0x2e: {  	s3 =	simm.s32 @!p0 $0x1082;
	s9 =	sld [smem:$0x3FB1]  }
0x2f: {  	lr =	sadd.s32 s0, s3;
	s0 =	sld [smem:$0x3FA8]  }
0x30: {  	s3 =	sld [smem:$0x3FAB]  }
0x31: {  	[smem:$0x3FB4] =	sst s10  }
0x32: {  	s10 =	sld [smem:$0x3FB2];
	_ =	sdelay $0x3  }
0x33: {  	p0 =	seq.s32 s10, $0x1;
	s10 =	sld [smem:$0x3FB4];
	_ =	sdelay $0x3  }
0x34: {  	[smem:$0x3FB4] =	sst s10  }
0x35: {  	s10 =	sld [smem:$0x3FB3];
	_ =	sdelay $0x3  }
0x36: {  	p1 =	seq.s32 s10, $0x1;
	s10 =	sld [smem:$0x3FB4];
	_ =	sdelay $0x3  }
0x37: {  	[smem:$0x3FB4] =	sst s10  }
0x38: {  	s10 =	sld [smem:$0x3FB5]  }
0x39: {  	_ = 	snop;
	(pc) =	sbr.ind lr, $3  }
0x3a: {  	_ = 	snop  }
0x3b: {  	_ = 	snop  }
0x3c: {  	p2 =	seq.s32 s10, $0x1;
	s10 =	sld [smem:$0x3FB4]  }
0x3d: {  	_ =	shalt  }
0x3e: {  	_ =	shalt  }
0x3f: {  	_ =	shalt  }
0x40: {  	_ =	shalt  }
0x41: {  	_ =	shalt  }
0x42: {  	_ =	shalt  }
0x43: {  	_ =	shalt  }
0x44: {  	_ =	shalt  }
0x45: {  	_ =	shalt  }
0x46: {  	_ =	shalt  }
0x47: {  	_ =	shalt  }
0x48: {  	_ =	shalt  }
0x49: {  	_ =	shalt  }
0x4a: {  	_ =	shalt  }
0x4b: {  	_ =	shalt  }
0x4c: {  	_ =	shalt  }
0x4d: {  	_ =	shalt  }
0x4e: {  	_ =	shalt  }
0x4f: {  	_ =	shalt  }
0x50: {  	_ =	shalt  }
0x51: {  	_ =	shalt  }
0x52: {  	_ =	shalt  }
0x53: {  	_ =	shalt  }
0x54: {  	_ =	shalt  }
0x55: {  	_ =	shalt  }
0x56: {  	_ =	shalt  }
0x57: {  	_ =	shalt  }
0x58: {  	_ =	shalt  }
0x59: {  	_ =	shalt  }
0x5a: {  	_ =	shalt  }
0x5b: {  	_ =	shalt  }
0x5c: {  	_ =	shalt  }
0x5d: {  	_ =	shalt  }
0x5e: {  	_ =	shalt  }
0x5f: {  	_ =	shalt  }
0x60: {  	_ =	shalt  }
0x61: {  	_ =	shalt  }
0x62: {  	_ =	shalt  }
0x63: {  	_ =	shalt  }
0x64: {  	_ =	shalt  }
0x65: {  	_ =	shalt  }
0x66: {  	_ =	shalt  }
0x67: {  	_ =	shalt  }
0x68: {  	_ =	shalt  }
0x69: {  	_ =	shalt  }
0x6a: {  	_ =	shalt  }
0x6b: {  	_ =	shalt  }
0x6c: {  	_ =	shalt  }
0x6d: {  	_ =	shalt  }
0x6e: {  	_ =	shalt  }
0x6f: {  	_ =	shalt  }
0x70: {  	_ =	shalt  }
0x71: {  	_ =	shalt  }
0x72: {  	_ =	shalt  }
0x73: {  	_ =	shalt  }
0x74: {  	_ =	shalt  }
0x75: {  	_ =	shalt  }
0x76: {  	_ =	shalt  }
0x77: {  	_ =	shalt  }
0x78: {  	_ =	shalt  }
0x79: {  	_ =	shalt  }
0x7a: {  	_ =	shalt  }
0x7b: {  	_ =	shalt  }
0x7c: {  	_ =	shalt  }
0x7d: {  	_ =	shalt  }
0x7e: {  	_ =	shalt  }
0x7f: {  	_ =	shalt  }
0x80: {  	_ =	shalt  }
0x81: {  	_ =	shalt  }
0x82: {  	_ =	shalt  }
0x83: {  	_ =	shalt  }
0x84: {  	_ =	shalt  }
0x85: {  	_ =	shalt  }
0x86: {  	_ =	shalt  }
0x87: {  	_ =	shalt  }
.Lfunc_end0:
.L_simem_size_0:
called_computation_lowered:
.L_overlay_start_0:
0x88: {  	s2 =	sld [smem:$0x3FD9]  }
0x89: {  	s3 =	sld [smem:$0x3FFE];
	_ =	sdelay $0x1  }
0x8a: {  	s1 =	srdreg.scid  }
0x8b: {  	s0 =	sand.u32 $0x1, s1  }
0x8c: {  	s16 =	sshll.u32 s0, $0xA;
	s2 =	sadd.s32 s3, s2  }
0x8d: {  	s2 =	sadd.s32 s2, s16  }
0x8e: {  	[smem:$0x3FC0] =	sst s2  }
0x8f: {  	_ = 	snop  }
0x90: {  	(tm) =	ssettm $0x1  }
0x91: {  	s17 =	sld [smem:$0x3FFB];
	_ =	sdelay $0x3  }
0x92: {  	_ =	strace s17  }
0x93: {  	s2 =	sld [smem:$0x3FFC];
	_ =	sdelay $0x3  }
0x94: {  	_ =	strace s2  }
0x95: {  	s2 =	sld [smem:$0x3FFD];
	_ =	sdelay $0x3  }
0x96: {  	_ =	strace s2  }
0x97: {  	_ =	strace $0x8FFFFFFF  }
0x98: {  	s18 =	sld [smem:$0x3FDB];
	_ =	sdelay $0x1  }
0x99: {  	s19 =	simm.s32 $_scs_section_size  }
0x9a: {  	s4 =	simm.s32 $_size__tile_overlayer_lowered;
	s5 =	simm.s32 $_tile_overlayer_lowered  }
0x9b: {  	s22 =	simm.s32 $0x1BFF;
	s21 =	sshll.u32 s5, $0x1;
	s2 =	sadd.s32 s19, s18  }
0x9c: {  	s6 =	simm.s32 $0x0;
	s20 =	sshll.u32 s4, $0x1;
	s4 =	sadd.s32 s21, s2  }
0x9d: {  	[timem:s6], [sflag:s22] =	dma.local [hbm:s4], s20  }
0x9e: {  	_ =	swait.ge [sflag:s22], s20  }
0x9f: {  	s3 =	ssub.s32 $0x0, s20;
	[sflag:s22] =	ssyncset.done $0x0  }
0xa0: {  	[sflag:s22] =	ssyncadd.s32 s3;
	_ =	sdelay $0x1  }
0xa1: {  	s23 =	simm.s32 $0x1B8B  }
0xa2: {  	_ =	swait.ge [sflag:s23], $0x1  }
0xa3: {  	[sflag:s23] =	ssyncset.done $0x0  }
0xa4: {  	s25 =	simm.s32 $0x1B8E;
	s24 =	sld [smem:$0x3FFE];
	[sflag:s23] =	ssyncadd.s32 $0xFFFFFFFF  }
0xa5: {  	s26 =	simm.s32 $execute0_lowered;
	[smem:$0x3FD2] =	sst s25  }
0xa6: {  	s4 =	sshll.u32 s26, $0x1;
	_ =	strace $0x80000046;
	[dreg:$0x1] =	wrdreg $0xFFFFFFFF  }
0xa7: {  	s28 =	simm.s32 $_size_execute0_lowered;
	s2 =	sadd.s32 s2, s4;
	[dreg:$0x0] =	wrdreg $0x0  }
0xa8: {  	s4 =	sshll.u32 s28, $0x1;
	[dreg:$0x2] =	wrdreg s2  }
0xa9: {  	[dreg:$0x3] =	wrdreg s4  }
0xaa: {  	[dreg:$0x4] =	wrdreg $0xC0  }
0xab: {  	_ =	task [dreg:s6], $0x5FFFF  }
0xac: {  	[dreg:$0x1] =	wrdreg $0xFFFFFFFF  }
0xad: {  	[dreg:$0x0] =	wrdreg $0x60  }
0xae: {  	[dreg:$0x2] =	wrdreg s24  }
0xaf: {  	[dreg:$0x3] =	wrdreg $0x9  }
0xb0: {  	_ =	task.clear_ibuf [dreg:s6], $0x4FFFF;
	_ =	strace $0x90000046  }
0xb1: {  	s29 =	simm.s32 $0x9;
	_ =	strace $0x80000048  }
0xb2: {  	_ =	swait.ge [sflag:s29], $0x1  }
0xb3: {  	[sflag:s29] =	ssyncadd.s32 $0xFFFFFFFF  }
0xb4: {  	_ =	strace $0x90000048  }
0xb5: {  	_ =	sfence  }
0xb6: {  	s30 =	sld [smem:$0x0];
	_ =	sdelay $0x2  }
0xb7: {  	s31 =	sshll.u32 s1, $0xD;
	s1 =	sshrl.u32 s1, $0x2  }
0xb8: {  	s3 =	sand.u32 $0x4000, s31;
	s1 =	sadd.s32 s1, s30  }
0xb9: {  	s0 =	sor.u32 s3, s0;
	s1 =	sshll.u32 s1, $0x11  }
0xba: {  	s0 =	sor.u32 s1, s0  }
0xbb: {  	s0 =	sadd.s32 $0x8F2B, s0  }
0xbc: {  	[sflag:s0] =	ssyncadd.remote.s32 $0x1  }
0xbd: {  	_ =	sfence.sel $0xFFFF  }
0xbe: {  	[dreg:$0x0] =	wrdreg $0xFFFFFFFF;
	(pc) =	sbr.abs _section_cstart, $3  }
0xbf: {  	[dreg:$0x1] =	wrdreg $0xFFFFFFFF  }
0xc0: {  	_ =	task.clear_ibuf [dreg:s6], $0x2FFFF;
	_ =	strace $0x9FFFFFFF  }
0xc1: {  	(tm) =	ssettm $0x7FFFFFFF  }
tec
execute0_lowered:
.L_overlay_start_1:
0x0: {  	(tag) =	ssettag $0x1  }
0x1: {  	s1 =	srdreg.scid  }
0x2: {  	s0 =	stileid.u32;
	s4 =	rddreg [dreg:$0x0]  }
0x3: {  	s2 =	simm.s32 $0x0;
	s8 =	simm.s32 $0x80;
	s9 =	simm.s32 $0x6400  }
0x4: {  	s10 =	simm.s32 $0x48;
	s11 =	simm.s32 $0x7400;
	s12 =	simm.s32 $0x7D00  }
0x5: {  	s13 =	simm.s32 $0x8D00;
	s14 =	simm.s32 $0x1;
	s15 =	simm.s32 $0x2  }
0x6: {  	s16 =	simm.s32 $0x9600;
	s17 =	simm.s32 $0x0;
	s3 =	sand.u32 $0x1, s1  }
0x7: {  	s5 =	sshll.u32 s0, $0x8;
	[smem:$0x7FF] =	sst s2;
	s6 =	sshll.u32 s3, $0x7  }
0x8: {  	s1 =	rddreg [dreg:$0x1];
	_ =	strace $0x80000047;
	s5 =	sor.u32 s6, s5  }
0x9: {  	s7 =	ssub.s32 $0x2, s3;
	s6 =	smul.u32 $0x19, s5;
	s5 =	sshll.u32 s5, $0x2  }
0xa: {  	s3 =	sadd.s32 $0xF43600, s4;
	s31 =	sshrl.u32 s7, $0x1;
	s5 =	sadd.s32 s5, s4  }
0xb: {  	s7 =	ssub.s32 s7, s31;
	s6 =	sadd.s32 s6, s4;
	s5 =	sadd.s32 $0x1A200, s5  }
0xc: {  	s4 =	sadd.s32 $0x1200, s6;
	s6 =	smax.u32 s7, $0x1;
	s7 =	simm.s32 $0x3  }
.LBB2_1:
0xd: {  	[tilespmem:s2], [sflag:$0x3] =	stream.linear.gather [hbm4b:s4+s2], $0x6400, $0x38;
	[tilespmem:$0xA600] =	vst v63  }
0xe: {  	_ =	swait.ge [sflag:s7], $0x6400  }
0xf: {  	[sflag:s7] =	ssyncset.done $0x0  }
0x10: {  	[sflag:s7] =	ssyncadd.s32 $0xFFFF9C00  }
0x11: {  	[tilespmem:s9], [sflag:$0x1] =	stream.indirect.gather [hbm4b:s3+s8], $0x20, s2, s8, $0xb8;
	[tilespmem:$0xA600] =	vst v63  }
0x12: {  	s18 =	simm.s32 $0x0  }
0x13: {  	[tilespmem:s11], [sflag:$0x1] =	stream.indirect.gather [hbm4b:s3+s10], $0x20, s8, s10, $0xb8;
	[tilespmem:$0xA600] =	vst v63  }
.LBB2_2:
0x14: {  	s19 =	sshllo.u32 s18, $0x1  }
0x15: {  	s20 =	smul.u32 $0x320, s19;
	_ =	sdelay $0x1  }
0x16: {  	s20 =	sshra.s32 s20, $0x2  }
0x17: {  	[tilespmem:s12], [sflag:$0x2] =	stream.indirect.gather [hbm4b:s3+s8], $0x20, s20, s8, $0xb8;
	[tilespmem:$0xA600] =	vst v63  }
0x18: {  	s20 =	sadd.s32 $0x80, s20  }
0x19: {  	[tilespmem:s13], [sflag:$0x2] =	stream.indirect.gather [hbm4b:s3+s10], $0x20, s20, s10, $0xb8;
	[tilespmem:$0xA600] =	vst v63  }
0x1a: {  	_ =	swait.ge [sflag:s14], $0x1000  }
0x1b: {  	[sflag:s14] =	ssyncset.done $0x0  }
0x1c: {  	[sflag:s14] =	ssyncadd.s32 $0xFFFFF000  }
0x1d: {  	_ =	swait.ge [sflag:s14], $0x900  }
0x1e: {  	[sflag:s14] =	ssyncset.done $0x0  }
0x1f: {  	s20 =	simm.s32 $0x0;
	[sflag:s14] =	ssyncadd.s32 $0xFFFFF700  }
0x20: {  	v0 =	vld [tilespmem:s20+$0x64C0]  }
0x21: {  	v1 =	vld [tilespmem:s20+$0x64D0]  }
0x22: {  	v2 =	vld [tilespmem:s20+$0x6480]  }
0x23: {  	v3 =	vld [tilespmem:s20+$0x6490]  }
0x24: {  	v4 =	vld [tilespmem:s20+$0x6440]  }
0x25: {  	v5 =	vld [tilespmem:s20+$0x6450]  }
0x26: {  	v10 =	vld [tilespmem:s20+$0x6400]  }
0x27: {  	v6 =	vimm.f32 $0.0e+00;
	v11 =	vld [tilespmem:s20+$0x6410]  }
0x28: {  	s21 =	simm.s32 $0x400;
	v7 =	vimm.f32 $0.0e+00;
	v9 =	vimm.f32 $0.0e+00;
	v8 =	vimm.f32 $0.0e+00;
	v12 =	vld [tilespmem:s20+$0x6420]  }
.LBB2_3:
0x29: {  	p0 =	sne.s32 s21, $0x6000;
	v13 =	vld [tilespmem:s20+$0x6430]  }
0x2a: {  	v14 =	vld [tilespmem:s20+$0x6460]  }
0x2b: {  	v15 =	vld [tilespmem:s20+$0x6470]  }
0x2c: {  	v16 =	vld [tilespmem:s20+$0x64A0]  }
0x2d: {  	v6 =	vadd.f32 v10, v6;
	v7 =	vadd.f32 v11, v7;
	v10 =	vld [tilespmem:s20+$0x64B0]  }
0x2e: {  	v9 =	vadd.f32 v12, v9;
	v8 =	vadd.f32 v13, v8;
	v11 =	vld [tilespmem:s20+$0x64E0]  }
0x2f: {  	v4 =	vadd.f32 v4, v6;
	v5 =	vadd.f32 v5, v7;
	v12 =	vld [tilespmem:s20+$0x64F0];
	s20 =	sshra.s32 s21, $0x2  }
0x30: {  	v6 =	vadd.f32 v14, v9;
	v13 =	vld [tilespmem:s20+$0x64C0];
	v7 =	vadd.f32 v15, v8  }
0x31: {  	v4 =	vadd.f32 v2, v4;
	v5 =	vadd.f32 v3, v5;
	v14 =	vld [tilespmem:s20+$0x64D0]  }
0x32: {  	v8 =	vadd.f32 v16, v6;
	v2 =	vld [tilespmem:s20+$0x6480];
	v10 =	vadd.f32 v10, v7  }
0x33: {  	v6 =	vadd.f32 v0, v4;
	v7 =	vadd.f32 v1, v5;
	v3 =	vld [tilespmem:s20+$0x6490]  }
.Ltmp0:
0x34: {  	v9 =	vadd.f32 v11, v8;
	v4 =	vld [tilespmem:s20+$0x6440];
	v8 =	vadd.f32 v12, v10;
	(pc) =	sbr.rel @p0 .LBB2_3-.Ltmp0, $4  }
0x35: {  	v5 =	vld [tilespmem:s20+$0x6450];
	v0 =	vmov v13  }
0x36: {  	v10 =	vld [tilespmem:s20+$0x6400];
	v1 =	vmov v14  }
0x37: {  	v11 =	vld [tilespmem:s20+$0x6410]  }
0x38: {  	s21 =	sadd.s32 $0x400, s21;
	v12 =	vld [tilespmem:s20+$0x6420]  }
0x39: {  	v13 =	vld [tilespmem:s20+$0x6430]  }
0x3a: {  	v14 =	vld [tilespmem:s20+$0x6460]  }
0x3b: {  	v15 =	vld [tilespmem:s20+$0x6470]  }
0x3c: {  	v16 =	vld [tilespmem:s20+$0x64A0]  }
0x3d: {  	v6 =	vadd.f32 v10, v6;
	v10 =	vld [tilespmem:s20+$0x64B0];
	v9 =	vadd.f32 v12, v9  }
0x3e: {  	v7 =	vadd.f32 v11, v7;
	v11 =	vld [tilespmem:s20+$0x64E0];
	v8 =	vadd.f32 v13, v8  }
0x3f: {  	v4 =	vadd.f32 v4, v6;
	v6 =	vld [tilespmem:s20+$0x64F0];
	v9 =	vadd.f32 v14, v9  }
0x40: {  	v5 =	vadd.f32 v5, v7;
	v7 =	vadd.f32 v15, v8  }
0x41: {  	v2 =	vadd.f32 v2, v4;
	v4 =	vadd.f32 v16, v9  }
0x42: {  	v3 =	vadd.f32 v3, v5;
	v5 =	vadd.f32 v10, v7  }
0x43: {  	v0 =	vadd.f32 v0, v2;
	v2 =	vadd.f32 v11, v4  }
0x44: {  	v1 =	vadd.f32 v1, v3;
	v3 =	vadd.f32 v6, v5  }
0x45: {  	v0 =	vadd.f32 v2, v0  }
0x46: {  	p0 =	seq.s32 s18, $0x3F;
	v1 =	vadd.f32 v3, v1  }
0x47: {  	s31 =	sshll.u32 s18, $0x6;
	s21 =	smul.u32 @!p0 $0x640, s18;
	v0 =	vmul.f32 $4.999999890e-03, v0  }
0x48: {  	s20 =	sand.u32 $0x3FFFFFC0, s31;
	v1 =	vmul.f32 $4.999999890e-03, v1  }
0x49: {  	s21 =	sshra.s32 @!p0 s21, $0x2;
	[tilespmem:s20+$0x9600] =	vst v0  }
0x4a: {  	s22 =	simm.s32 @!p0 $0x80;
	s23 =	simm.s32 @!p0 $0x6400;
	[tilespmem:s20+$0x9610] =	vst v1;
	s20 =	sadd.s32 @!p0 $0x190, s21  }
0x4b: {  	[tilespmem:s23], [sflag:$0x1] =	stream.indirect.gather @!p0 [hbm4b:s3+s22], $0x20, s20, s22, $0xb8;
	[tilespmem:$0xA600] =	vst v63  }
0x4c: {  	s20 =	sadd.s32 @!p0 $0x210, s21;
	s21 =	simm.s32 @!p0 $0x48;
	s22 =	simm.s32 @!p0 $0x7400  }
0x4d: {  	[tilespmem:s22], [sflag:$0x1] =	stream.indirect.gather @!p0 [hbm4b:s3+s21], $0x20, s20, s21, $0xb8;
	[tilespmem:$0xA600] =	vst v63  }
0x4e: {  	_ =	swait.ge [sflag:s15], $0x1000  }
0x4f: {  	[sflag:s15] =	ssyncset.done $0x0  }
0x50: {  	[sflag:s15] =	ssyncadd.s32 $0xFFFFF000  }
0x51: {  	_ =	swait.ge [sflag:s15], $0x900  }
0x52: {  	[sflag:s15] =	ssyncset.done $0x0  }
0x53: {  	s20 =	simm.s32 $0x0;
	[sflag:s15] =	ssyncadd.s32 $0xFFFFF700  }
0x54: {  	v0 =	vld [tilespmem:s20+$0x7DC0]  }
0x55: {  	v1 =	vld [tilespmem:s20+$0x7DD0]  }
0x56: {  	v2 =	vld [tilespmem:s20+$0x7D80]  }
0x57: {  	v3 =	vld [tilespmem:s20+$0x7D90]  }
0x58: {  	v4 =	vld [tilespmem:s20+$0x7D40]  }
0x59: {  	v5 =	vld [tilespmem:s20+$0x7D50]  }
0x5a: {  	v10 =	vld [tilespmem:s20+$0x7D00]  }
0x5b: {  	v8 =	vimm.f32 $0.0e+00;
	v11 =	vld [tilespmem:s20+$0x7D10]  }
0x5c: {  	v9 =	vimm.f32 $0.0e+00;
	v7 =	vimm.f32 $0.0e+00;
	v6 =	vimm.f32 $0.0e+00;
	s21 =	simm.s32 $0x400;
	v12 =	vld [tilespmem:s20+$0x7D20]  }
.LBB2_5:
0x5d: {  	p0 =	sne.s32 s21, $0x6000;
	v13 =	vld [tilespmem:s20+$0x7D30]  }
0x5e: {  	v14 =	vld [tilespmem:s20+$0x7D60]  }
0x5f: {  	v15 =	vld [tilespmem:s20+$0x7D70]  }
0x60: {  	v16 =	vld [tilespmem:s20+$0x7DA0]  }
0x61: {  	v6 =	vadd.f32 v10, v6;
	v7 =	vadd.f32 v11, v7;
	v10 =	vld [tilespmem:s20+$0x7DB0]  }
0x62: {  	v9 =	vadd.f32 v12, v9;
	v8 =	vadd.f32 v13, v8;
	v11 =	vld [tilespmem:s20+$0x7DE0]  }
0x63: {  	v4 =	vadd.f32 v4, v6;
	v5 =	vadd.f32 v5, v7;
	v12 =	vld [tilespmem:s20+$0x7DF0];
	s20 =	sshra.s32 s21, $0x2  }
0x64: {  	v6 =	vadd.f32 v14, v9;
	v13 =	vld [tilespmem:s20+$0x7DC0];
	v7 =	vadd.f32 v15, v8  }
0x65: {  	v4 =	vadd.f32 v2, v4;
	v5 =	vadd.f32 v3, v5;
	v14 =	vld [tilespmem:s20+$0x7DD0]  }
0x66: {  	v8 =	vadd.f32 v16, v6;
	v2 =	vld [tilespmem:s20+$0x7D80];
	v10 =	vadd.f32 v10, v7  }
0x67: {  	v6 =	vadd.f32 v0, v4;
	v7 =	vadd.f32 v1, v5;
	v3 =	vld [tilespmem:s20+$0x7D90]  }
.Ltmp1:
0x68: {  	v9 =	vadd.f32 v11, v8;
	v4 =	vld [tilespmem:s20+$0x7D40];
	v8 =	vadd.f32 v12, v10;
	(pc) =	sbr.rel @p0 .LBB2_5-.Ltmp1, $4  }
0x69: {  	v5 =	vld [tilespmem:s20+$0x7D50];
	v0 =	vmov v13  }
0x6a: {  	v10 =	vld [tilespmem:s20+$0x7D00];
	v1 =	vmov v14  }
0x6b: {  	v11 =	vld [tilespmem:s20+$0x7D10]  }
0x6c: {  	s21 =	sadd.s32 $0x400, s21;
	v12 =	vld [tilespmem:s20+$0x7D20]  }
0x6d: {  	v13 =	vld [tilespmem:s20+$0x7D30]  }
0x6e: {  	v14 =	vld [tilespmem:s20+$0x7D60]  }
0x6f: {  	v15 =	vld [tilespmem:s20+$0x7D70]  }
0x70: {  	v16 =	vld [tilespmem:s20+$0x7DA0]  }
0x71: {  	v56 =	vld [tilespmem:s20+$0x7DB0];
	v6 =	vadd.f32 v10, v6;
	v9 =	vadd.f32 v12, v9  }
0x72: {  	v57 =	vld [tilespmem:s20+$0x7DE0];
	v7 =	vadd.f32 v11, v7;
	v8 =	vadd.f32 v13, v8  }
0x73: {  	v58 =	vld [tilespmem:s20+$0x7DF0];
	v4 =	vadd.f32 v4, v6;
	v9 =	vadd.f32 v14, v9  }
0x74: {  	v5 =	vadd.f32 v5, v7;
	v59 =	vadd.f32 v15, v8  }
0x75: {  	v2 =	vadd.f32 v2, v4;
	v60 =	vadd.f32 v16, v9  }
0x76: {  	v3 =	vadd.f32 v3, v5;
	v61 =	vadd.f32 v56, v59  }
0x77: {  	v0 =	vadd.f32 v0, v2;
	v62 =	vadd.f32 v57, v60  }
0x78: {  	s18 =	sadd.s32 $0x1, s18;
	v1 =	vadd.f32 v1, v3;
	v63 =	vadd.f32 v58, v61  }
0x79: {  	p0 =	sne.s32 s18, $0x40;
	v0 =	vadd.f32 v62, v0  }
.Ltmp2:
0x7a: {  	v1 =	vadd.f32 v63, v1;
	(pc) =	sbr.rel @p0 .LBB2_2-.Ltmp2, $4  }
0x7b: {  	s19 =	sshll.u32 s19, $0x5;
	v0 =	vmul.f32 $4.999999890e-03, v0  }
0x7c: {  	s19 =	sand.u32 $0x3FFFFFE0, s19;
	v1 =	vmul.f32 $4.999999890e-03, v1  }
0x7d: {  	[tilespmem:s19+$0x9600] =	vst v0  }
0x7e: {  	[tilespmem:s19+$0x9610] =	vst v1  }
0x7f: {  	s17 =	sadd.s32 $0x1, s17  }
0x80: {  	p0 =	sne.s32 s17, s6  }
.Ltmp3:
0x81: {  	_ = 	snop;
	(pc) =	sbr.rel @p0 .LBB2_1-.Ltmp3, $4  }
0x82: {  	[hbm4b:s5+s2] =	stream.linear.scatter [tilespmem:s16], [sflag:$0x3], $0x1000, $0x38;
	[tilespmem:$0xA600] =	vst v63  }
0x83: {  	_ =	swait.ge [sflag:s7], $0x1000  }
0x84: {  	[sflag:s7] =	ssyncset.done $0x0  }
0x85: {  	[sflag:s7] =	ssyncadd.s32 $0xFFFFF000  }
0x86: {  	_ =	sfence.sel $0x180000  }
0x87: {  	[bflag:$0x0] =	sbarrier.arrive $0xFFFF  }
0x88: {  	p0 =	sne.s32 s0, $0x0;
	_ =	strace $0x90000047  }
0x89: {  	s0 =	sadd.s32 @!p0 $0x100000, s1;
	[bflag:$0x2] =	sbarrier.arrive $0xFFFF  }
0x8a: {  	[sflag:s0] =	ssyncadd.tile.s32 @!p0 $0x1;
	_ =	shalt  }
.Lfunc_end2:
_tile_overlayer_lowered:
.L_overlay_start_2:
0x8b: {  	(tag) =	ssettag $0x2  }
0x8c: {  	s0 =	rddreg [dreg:$0x0];
	s2 =	stileid.u32  }
0x8d: {  	s1 =	rddreg [dreg:$0x1];
	p0 =	sne.s32 s2, $0x0  }
0x8e: {  	s3 =	rddreg [dreg:$0x2];
	[bflag:$0x3] =	sbarrier.arrive $0xFFFF;
	s2 =	simm.s32 @!p0 $0x1C03  }
0x8f: {  	[timem:s3], [sflag:s2] =	dma.local @!p0 [hbm:s0], s1  }
0x90: {  	s0 =	simm.s32 @!p0 $0x3  }
0x91: {  	_ =	swait.ge @!p0 [sflag:s0], s1  }
0x92: {  	s1 =	ssub.s32 @!p0 $0x0, s1;
	[sflag:s0] =	ssyncset.done @!p0 $0x0  }
0x93: {  	[sflag:s0] =	ssyncadd.s32 @!p0 s1  }
0x94: {  	[bflag:$0x3] =	sbarrier.arrive $0xFFFF  }
0x95: {  	_ =	shalt  }

</sc_bundles>
